<compile_context>
chip_gen: v7x
topology: tpu7x:2x2x1
jax: 0.10.2.dev20260603
libtpu: 0.0.44.dev20260713+nightly
codegen_flags: <defaults>
</compile_context>

<pallas_src>
import functools

import jax
import jax.numpy as jnp
from jax import lax
from jax.experimental import pallas as pl
from jax.experimental.pallas import tpu as pltpu
from jax.experimental.pallas import tpu_sc as plsc

N_POINTS = 16384
N1 = 4096
N2 = 1024
K_NBR = 32
EPS = 1e-5


def _fps_body(n, px_ref, py_ref, pz_ref, pxs_ref, pys_ref, pzs_ref,
              qx_ref, qy_ref, qz_ref):
    R = px_ref.shape[0]
    px = px_ref[...]
    py = py_ref[...]
    pz = pz_ref[...]
    row_i = lax.broadcasted_iota(jnp.int32, (R, 128), 0)
    col_i = lax.broadcasted_iota(jnp.int32, (R, 128), 1)
    flat_i = row_i * 128 + col_i

    lx0 = pxs_ref[0]
    ly0 = pys_ref[0]
    lz0 = pzs_ref[0]
    qx_ref[0] = lx0
    qy_ref[0] = ly0
    qz_ref[0] = lz0

    dists0 = jnp.full((R, 128), jnp.inf, dtype=jnp.float32)

    def body(i, state):
        dists, lx, ly, lz = state
        dx = px - lx
        dy = py - ly
        dz = pz - lz
        d = (dx * dx + dy * dy) + dz * dz
        dists = jnp.minimum(dists, d)
        m = jnp.max(dists)
        cand = jnp.where(dists == m, flat_i, jnp.int32(1 << 30))
        nxt = jnp.min(cand)
        nlx = pxs_ref[nxt]
        nly = pys_ref[nxt]
        nlz = pzs_ref[nxt]
        qx_ref[i] = nlx
        qy_ref[i] = nly
        qz_ref[i] = nlz
        return (dists, nlx, nly, nlz)

    lax.fori_loop(1, n, body, (dists0, lx0, ly0, lz0), unroll=False)


def _fps_qpos(pos, n):
    N = pos.shape[0]
    R = N // 128
    planes = pos.T.reshape(3, R, 128)
    flat = pos.T
    q = pl.pallas_call(
        functools.partial(_fps_body, n),
        in_specs=[
            pl.BlockSpec(memory_space=pltpu.VMEM),
            pl.BlockSpec(memory_space=pltpu.VMEM),
            pl.BlockSpec(memory_space=pltpu.VMEM),
            pl.BlockSpec(memory_space=pltpu.SMEM),
            pl.BlockSpec(memory_space=pltpu.SMEM),
            pl.BlockSpec(memory_space=pltpu.SMEM),
        ],
        out_specs=[pl.BlockSpec(memory_space=pltpu.SMEM)] * 3,
        out_shape=[jax.ShapeDtypeStruct((n,), jnp.float32)] * 3,
    )(planes[0], planes[1], planes[2], flat[0], flat[1], flat[2])
    return jnp.stack(q, axis=1)


def _topk_body(r2, K, N, q_ref, p_ref, nbr_ref, val_ref, key_ref):
    Q = q_ref.shape[0]
    q8 = q_ref[...]
    p8 = p_ref[...]
    qp = jnp.dot(q8, p8, preferred_element_type=jnp.float32)
    qn = jnp.sum(q8 * q8, axis=1, keepdims=True)
    pn = jnp.sum(p8 * p8, axis=0, keepdims=True)
    d2 = (qn + pn) - 2.0 * qp
    key_ref[...] = jnp.where(d2 <= r2, d2, jnp.inf)
    flat = lax.broadcasted_iota(jnp.int32, (Q, N), 1)
    lane = lax.broadcasted_iota(jnp.int32, (Q, 128), 1)

    def rnd(k, carry):
        nbr_acc, val_acc = carry
        kv = key_ref[...]
        m = jnp.min(kv, axis=1, keepdims=True)
        cand = jnp.where(kv == m, flat, jnp.int32(N))
        nxt = jnp.min(cand, axis=1, keepdims=True)
        key_ref[...] = jnp.where(flat == nxt, jnp.inf, kv)
        nbr_acc = jnp.where(lane == k, nxt, nbr_acc)
        val_acc = jnp.where(lane == k, (m < jnp.inf).astype(jnp.int32), val_acc)
        return nbr_acc, val_acc

    z = jnp.zeros((Q, 128), jnp.int32)
    nbr_acc, val_acc = lax.fori_loop(0, K, rnd, (z, z), unroll=False)
    nbr_ref[...] = nbr_acc
    val_ref[...] = val_acc


def _radius_topk(qpos, pos, r2, Q=512):
    n, N = qpos.shape[0], pos.shape[0]
    q8 = jnp.pad(qpos, ((0, 0), (0, 5)))
    p8 = jnp.pad(pos.T, ((0, 5), (0, 0)))
    grid = n // Q
    nbr, val = pl.pallas_call(
        functools.partial(_topk_body, r2, K_NBR, N),
        grid=(grid,),
        in_specs=[
            pl.BlockSpec((Q, 8), lambda i: (i, 0)),
            pl.BlockSpec((8, N), lambda i: (0, 0)),
        ],
        out_specs=[
            pl.BlockSpec((Q, 128), lambda i: (i, 0)),
            pl.BlockSpec((Q, 128), lambda i: (i, 0)),
        ],
        out_shape=[
            jax.ShapeDtypeStruct((n, 128), jnp.int32),
            jax.ShapeDtypeStruct((n, 128), jnp.int32),
        ],
        scratch_shapes=[pltpu.VMEM((Q, N), jnp.float32)],
    )(q8, p8)
    return nbr[:, :K_NBR], val[:, :K_NBR] != 0


def _sc_gather(table, idx):
    B = idx.shape[0]
    D = table.shape[1]
    info = plsc.get_sparse_core_info()
    NC, NS = info.num_cores, info.num_subcores
    NW = NC * NS
    b_per_w = B // NW
    CH = 128
    n_ch = b_per_w // CH
    idx2d = idx.reshape(B // CH, CH)
    mesh = plsc.VectorSubcoreMesh(core_axis_name="c", subcore_axis_name="s")

    @functools.partial(
        pl.kernel, mesh=mesh,
        compiler_params=pltpu.CompilerParams(use_tc_tiling_on_sc=False),
        out_type=jax.ShapeDtypeStruct((B, D), jnp.float32),
        scratch_types=[
            pltpu.VMEM((n_ch, CH), jnp.int32),
            pltpu.VMEM((b_per_w, D), jnp.float32),
            pltpu.SemaphoreType.DMA,
        ],
    )
    def k(table_hbm, idx_hbm, out_hbm, idx_v, rows_v, sem):
        wid = lax.axis_index("s") * NC + lax.axis_index("c")
        pltpu.sync_copy(idx_hbm.at[pl.ds(wid * n_ch, n_ch)], idx_v)

        def body(j, carry):
            pltpu.async_copy(table_hbm.at[idx_v.at[j]],
                             rows_v.at[pl.ds(j * CH, CH)], sem).wait()
            return carry

        lax.fori_loop(0, n_ch, body, 0)
        pltpu.sync_copy(rows_v, out_hbm.at[pl.ds(wid * b_per_w, b_per_w)])

    return k(table, idx2d)


def _sa(x, pos, n_samples, r, W1, b1, W2, b2, W3, b3):
    qpos = _fps_qpos(pos, n_samples)
    nbr, valid = _radius_topk(qpos, pos, r * r)
    C = x.shape[1]
    Dp = ((C + 3 + 15) // 16) * 16
    table = jnp.pad(jnp.concatenate([x, pos], axis=1),
                    ((0, 0), (0, Dp - C - 3)))
    rows = _sc_gather(table, nbr.reshape(-1))
    xj = rows[:, :C].reshape(n_samples, K_NBR, C)
    posj = rows[:, C:C + 3].reshape(n_samples, K_NBR, 3)
    rel = posj - qpos[:, None, :]
    msg = jnp.concatenate([xj, rel], axis=-1).reshape(n_samples * K_NBR, -1)
    maskf = valid.reshape(n_samples * K_NBR, 1).astype(jnp.float32)
    pad = Dp - msg.shape[1] - 1
    msg = jnp.concatenate(
        [msg, jnp.zeros((msg.shape[0], pad), jnp.float32), maskf], axis=1)
    h = _mlp_sa(msg, W1, b1, W2, b2, W3, b3)
    return h, qpos


def _mlp_sa_body(K, msg_ref, W1_ref, b1_ref, W2_ref, b2_ref,
                 W3_ref, b3_ref, out_ref,
                 s1_ref, q1_ref, s2_ref, q2_ref, sm_ref):
    CH, Dp = msg_ref.shape
    F3 = W3_ref.shape[1]
    p = pl.program_id(0)
    j = pl.program_id(1)

    @pl.when(jnp.logical_and(p == 0, j == 0))
    def _init():
        s1_ref[...] = jnp.zeros_like(s1_ref)
        q1_ref[...] = jnp.zeros_like(q1_ref)
        s2_ref[...] = jnp.zeros_like(s2_ref)
        q2_ref[...] = jnp.zeros_like(q2_ref)
        sm_ref[...] = jnp.zeros_like(sm_ref)

    mc = msg_ref[...]
    mk = mc[:, Dp - 1:Dp]

    @pl.when(p == 0)
    def _ph1():
        pre = jnp.dot(mc, W1_ref[...], preferred_element_type=jnp.float32) \
            + b1_ref[...]
        wp = mk * pre
        s1_ref[...] += jnp.sum(wp, axis=0, keepdims=True)
        q1_ref[...] += jnp.sum(wp * pre, axis=0, keepdims=True)
        sm_ref[...] += jnp.sum(mk, keepdims=True).reshape(1, 1)

    @pl.when(p > 0)
    def _ph23():
        sm = sm_ref[0, 0]
        mean1 = s1_ref[...] / sm
        inv1 = 1.0 / jnp.sqrt(q1_ref[...] / sm - mean1 * mean1 + EPS)
        pre1 = jnp.dot(mc, W1_ref[...], preferred_element_type=jnp.float32) \
            + b1_ref[...]
        h1 = jax.nn.sigmoid((pre1 - mean1) * inv1)
        pre2 = jnp.dot(h1, W2_ref[...], preferred_element_type=jnp.float32) \
            + b2_ref[...]

        @pl.when(p == 1)
        def _acc2():
            wp = mk * pre2
            s2_ref[...] += jnp.sum(wp, axis=0, keepdims=True)
            q2_ref[...] += jnp.sum(wp * pre2, axis=0, keepdims=True)

        @pl.when(p == 2)
        def _ph3():
            mean2 = s2_ref[...] / sm
            inv2 = 1.0 / jnp.sqrt(q2_ref[...] / sm - mean2 * mean2 + EPS)
            h2 = jax.nn.sigmoid((pre2 - mean2) * inv2)
            h3 = jnp.dot(h2, W3_ref[...],
                         preferred_element_type=jnp.float32) + b3_ref[...]
            h3 = jnp.where(mk > 0.0, h3, -jnp.inf)
            pooled = jnp.max(h3.reshape(CH // K, K, F3), axis=1)
            out_ref[...] = jnp.maximum(pooled, 0.0)


def _mlp_sa(msg, W1, b1, W2, b2, W3, b3, CH=8192):
    B = msg.shape[0]
    CH = min(CH, B)
    NCH = B // CH
    F1, F2, F3 = W1.shape[1], W2.shape[1], W3.shape[1]
    Dp = msg.shape[1]
    W1p = jnp.pad(W1, ((0, Dp - W1.shape[0]), (0, 0)))
    return pl.pallas_call(
        functools.partial(_mlp_sa_body, K_NBR),
        grid=(3, NCH),
        in_specs=[
            pl.BlockSpec((CH, Dp), lambda p, j: (j, 0)),
            pl.BlockSpec((Dp, F1), lambda p, j: (0, 0)),
            pl.BlockSpec((1, F1), lambda p, j: (0, 0)),
            pl.BlockSpec((F1, F2), lambda p, j: (0, 0)),
            pl.BlockSpec((1, F2), lambda p, j: (0, 0)),
            pl.BlockSpec((F2, F3), lambda p, j: (0, 0)),
            pl.BlockSpec((1, F3), lambda p, j: (0, 0)),
        ],
        out_specs=pl.BlockSpec((CH // K_NBR, F3), lambda p, j: (j, 0)),
        out_shape=jax.ShapeDtypeStruct((B // K_NBR, F3), jnp.float32),
        scratch_shapes=[pltpu.VMEM((1, F1), jnp.float32),
                        pltpu.VMEM((1, F1), jnp.float32),
                        pltpu.VMEM((1, F2), jnp.float32),
                        pltpu.VMEM((1, F2), jnp.float32),
                        pltpu.VMEM((1, 1), jnp.float32)],
    )(msg, W1p, b1.reshape(1, -1), W2, b2.reshape(1, -1),
      W3, b3.reshape(1, -1))


def _global_body(h_ref, W1_ref, b1_ref, W2_ref, b2_ref, W3_ref, b3_ref,
                 out_ref):
    n = h_ref.shape[0]
    h = h_ref[...]

    def bn(t):
        mean = jnp.sum(t, axis=0, keepdims=True) / n
        var = jnp.sum(t * t, axis=0, keepdims=True) / n - mean * mean
        return (t - mean) / jnp.sqrt(var + EPS)

    h = jax.nn.sigmoid(bn(jnp.dot(h, W1_ref[...],
                                  preferred_element_type=jnp.float32)
                          + b1_ref[...]))
    h = jax.nn.sigmoid(bn(jnp.dot(h, W2_ref[...],
                                  preferred_element_type=jnp.float32)
                          + b2_ref[...]))
    h = jnp.dot(h, W3_ref[...], preferred_element_type=jnp.float32) + b3_ref[...]
    h = jnp.maximum(h, 0.0)
    out = jnp.max(h, axis=0, keepdims=True)
    out = out - jnp.max(out, axis=1, keepdims=True)
    e = jnp.exp(out)
    out_ref[...] = e / jnp.sum(e, axis=1, keepdims=True)


def kernel(x, pos, batch,
           sa1_W1, sa1_b1, sa1_W2, sa1_b2, sa1_W3, sa1_b3,
           sa2_W1, sa2_b1, sa2_W2, sa2_b2, sa2_W3, sa2_b3,
           g_W1, g_b1, g_W2, g_b2, g_W3, g_b3):
    x = (x - jnp.zeros((1, x.shape[1]), x.dtype)) / jnp.ones((1, x.shape[1]), x.dtype)
    x, pos = _sa(x, pos, N1, 1.0, sa1_W1, sa1_b1, sa1_W2, sa1_b2, sa1_W3, sa1_b3)
    x, pos = _sa(x, pos, N2, 2.0, sa2_W1, sa2_b1, sa2_W2, sa2_b2, sa2_W3, sa2_b3)
    h = jnp.concatenate([x, pos], axis=-1)
    Dp = 80
    h = jnp.pad(h, ((0, 0), (0, Dp - h.shape[1])))
    gW1p = jnp.pad(g_W1, ((0, Dp - g_W1.shape[0]), (0, 0)))
    out = pl.pallas_call(
        _global_body,
        out_shape=jax.ShapeDtypeStruct((1, 128), jnp.float32),
    )(h, gW1p, g_b1.reshape(1, -1), g_W2, g_b2.reshape(1, -1),
      g_W3, g_b3.reshape(1, -1))
    return out

# --- scband reference (transcript-rebuilt; emitter-appended) ---
"""Pipeline reference for scband-feature-model-58600533786800 (READ-ONLY COPY).

The authoritative reference and input builder live on the scoring server;
editing this copy changes nothing except your own understanding.
"""

import jax
import jax.numpy as jnp
import numpy as np
from jax import lax

N_POINTS = 16384
N1 = 4096
N2 = 1024
K_NBR = 32
EPS = 1e-5


def _bn(h, mask):
    w = mask / jnp.sum(mask)
    mean = jnp.sum(h * w[:, None], axis=0)
    var = jnp.sum(((h - mean) ** 2) * w[:, None], axis=0)
    return (h - mean) / jnp.sqrt(var + EPS)


def _mlp3(h, mask, W1, b1, W2, b2, W3, b3):
    h = jax.nn.sigmoid(_bn(h @ W1 + b1, mask))
    h = jax.nn.sigmoid(_bn(h @ W2 + b2, mask))
    return h @ W3 + b3


def _fps_idx(pos, n):
    N = pos.shape[0]

    def body(i, state):
        dists, idxs = state
        last = idxs[i - 1]
        d = jnp.sum((pos - pos[last]) ** 2, axis=1)
        dists = jnp.minimum(dists, d)
        nxt = jnp.argmax(dists).astype(jnp.int32)
        return (dists, idxs.at[i].set(nxt))

    dists0 = jnp.full((N,), jnp.inf, dtype=pos.dtype)
    idxs0 = jnp.zeros((n,), dtype=jnp.int32)
    _, idxs = lax.fori_loop(1, n, body, (dists0, idxs0))
    return idxs


def _sa(x, pos, n_samples, r, W1, b1, W2, b2, W3, b3):
    idx = _fps_idx(pos, n_samples)
    qpos = pos[idx]
    d2 = (jnp.sum(qpos ** 2, axis=1)[:, None]
          + jnp.sum(pos ** 2, axis=1)[None, :]
          - 2.0 * (qpos @ pos.T))
    masked = jnp.where(d2 <= r * r, d2, jnp.inf)
    negv, nbr = lax.top_k(-masked, K_NBR)
    valid = jnp.isfinite(negv)
    xj = x[nbr]
    rel = pos[nbr] - qpos[:, None, :]
    msg = jnp.concatenate([xj, rel], axis=-1).reshape(n_samples * K_NBR, -1)
    m = valid.reshape(n_samples * K_NBR).astype(msg.dtype)
    h = _mlp3(msg, m, W1, b1, W2, b2, W3, b3).reshape(n_samples, K_NBR, -1)
    h = jnp.where(valid[:, :, None], h, -jnp.inf)
    return jax.nn.relu(jnp.max(h, axis=1)), qpos


def _forward(x, pos,
             sa1_W1, sa1_b1, sa1_W2, sa1_b2, sa1_W3, sa1_b3,
             sa2_W1, sa2_b1, sa2_W2, sa2_b2, sa2_W3, sa2_b3,
             g_W1, g_b1, g_W2, g_b2, g_W3, g_b3):
    x = (x - jnp.zeros((1, x.shape[1]), x.dtype)) / jnp.ones((1, x.shape[1]), x.dtype)
    x, pos = _sa(x, pos, N1, 1.0, sa1_W1, sa1_b1, sa1_W2, sa1_b2, sa1_W3, sa1_b3)
    x, pos = _sa(x, pos, N2, 2.0, sa2_W1, sa2_b1, sa2_W2, sa2_b2, sa2_W3, sa2_b3)
    h = jnp.concatenate([x, pos], axis=-1)
    m = jnp.ones((h.shape[0],), h.dtype)
    h = jax.nn.relu(_mlp3(h, m, g_W1, g_b1, g_W2, g_b2, g_W3, g_b3))
    out = jnp.max(h, axis=0, keepdims=True)
    return jax.nn.softmax(out, axis=1)


def setup_inputs(seed: int = 0):
    key = jax.random.key(seed)
    ks = jax.random.split(key, 24)
    x = jax.random.normal(ks[0], (N_POINTS, 6), jnp.float32)
    pos = jax.random.normal(ks[1], (N_POINTS, 3), jnp.float32)
    batch = jnp.zeros((N_POINTS,), jnp.int32)

    def lin(k, fi, fo):
        lim = np.sqrt(6.0 / (fi + fo))
        return jax.random.uniform(k, (fi, fo), jnp.float32, -lim, lim)

    dims = {
        'sa1': [(9, 16), (16, 16), (16, 32)],
        'sa2': [(35, 32), (32, 32), (32, 64)],
        'g': [(67, 64), (64, 64), (64, 128)],
    }
    inp = {'x': x, 'pos': pos, 'batch': batch}
    ki = 2
    for name, ds in dims.items():
        for li, (fi, fo) in enumerate(ds, 1):
            inp[name + '_W' + str(li)] = lin(ks[ki], fi, fo)
            inp[name + '_b' + str(li)] = jnp.zeros((fo,), jnp.float32)
            ki += 1
    return inp


def reference(x, pos, batch,
              sa1_W1, sa1_b1, sa1_W2, sa1_b2, sa1_W3, sa1_b3,
              sa2_W1, sa2_b1, sa2_W2, sa2_b2, sa2_W3, sa2_b3,
              g_W1, g_b1, g_W2, g_b2, g_W3, g_b3):
    return _forward(x, pos,
                    sa1_W1, sa1_b1, sa1_W2, sa1_b2, sa1_W3, sa1_b3,
                    sa2_W1, sa2_b1, sa2_W2, sa2_b2, sa2_W3, sa2_b3,
                    g_W1, g_b1, g_W2, g_b2, g_W3, g_b3)

if __name__ == "__main__":
    import jax
    _d = setup_inputs()
    print(jax.jit(kernel)(*tuple(_d.values())))

</pallas_src>

<mosaic_0001>
module attributes {stable_mosaic.version = 14 : i64} {
  func.func @_global_body(%arg0: memref<1024x80xf32, #tpu.memory_space<vmem>>, %arg1: memref<80x64xf32, #tpu.memory_space<vmem>>, %arg2: memref<1x64xf32, #tpu.memory_space<vmem>>, %arg3: memref<64x64xf32, #tpu.memory_space<vmem>>, %arg4: memref<1x64xf32, #tpu.memory_space<vmem>>, %arg5: memref<64x128xf32, #tpu.memory_space<vmem>>, %arg6: memref<1x128xf32, #tpu.memory_space<vmem>>, %arg7: memref<1x128xf32, #tpu.memory_space<vmem>>) attributes {dimension_semantics = [], scalar_prefetch = 0 : i64, scratch_operands = 0 : i64, tpu.core_type = #tpu.core_type<tc>} {
    %get3A = arith.constant 0 : index
    %get3A_0 = arith.constant 0 : index
    %get3A_1 = vector.load %arg0[%get3A, %get3A_0] : memref<1024x80xf32, #tpu.memory_space<vmem>>, vector<1024x80xf32>
    %get3A_2 = arith.constant 0 : index
    %get3A_3 = arith.constant 0 : index
    %get3A_4 = vector.load %arg1[%get3A_2, %get3A_3] : memref<80x64xf32, #tpu.memory_space<vmem>>, vector<80x64xf32>
    %dot_general3A = arith.constant dense<0.000000e+00> : vector<1024x64xf32>
    %dot_general3A_5 = tpu.matmul %get3A_1, %get3A_4, %dot_general3A {dimension_numbers = #tpu.dot_dimension_numbers<[1], [0], [0], [1], [0, 0, 1, 1], [], []>, transpose_lhs_hint = false} : vector<1024x80xf32>, vector<80x64xf32>, vector<1024x64xf32> -> vector<1024x64xf32>
    %get3A_6 = arith.constant 0 : index
    %get3A_7 = arith.constant 0 : index
    %get3A_8 = vector.load %arg2[%get3A_6, %get3A_7] : memref<1x64xf32, #tpu.memory_space<vmem>>, vector<1x64xf32>
    %add3A = vector.broadcast %get3A_8 : vector<1x64xf32> to vector<1024x64xf32>
    %add3A_9 = arith.addf %dot_general3A_5, %add3A : vector<1024x64xf32>
    %reduce_sum3A = arith.constant dense<0.000000e+00> : vector<64xf32>
    %reduce_sum3A_10 = vector.multi_reduction <add>, %add3A_9, %reduce_sum3A [0] : vector<1024x64xf32> to vector<64xf32>
    %broadcast_in_dim3A = vector.shape_cast %reduce_sum3A_10 : vector<64xf32> to vector<1x64xf32>
    %div3A = arith.constant 1.024000e+03 : f32
    %div3A_11 = vector.broadcast %div3A : f32 to vector<1x64xf32>
    %div3A_12 = arith.divf %broadcast_in_dim3A, %div3A_11 : vector<1x64xf32>
    %mul3A = arith.mulf %add3A_9, %add3A_9 : vector<1024x64xf32>
    %reduce_sum3A_13 = arith.constant dense<0.000000e+00> : vector<64xf32>
    %reduce_sum3A_14 = vector.multi_reduction <add>, %mul3A, %reduce_sum3A_13 [0] : vector<1024x64xf32> to vector<64xf32>
    %broadcast_in_dim3A_15 = vector.shape_cast %reduce_sum3A_14 : vector<64xf32> to vector<1x64xf32>
    %div3A_16 = arith.constant 1.024000e+03 : f32
    %div3A_17 = vector.broadcast %div3A_16 : f32 to vector<1x64xf32>
    %div3A_18 = arith.divf %broadcast_in_dim3A_15, %div3A_17 : vector<1x64xf32>
    %mul3A_19 = arith.mulf %div3A_12, %div3A_12 : vector<1x64xf32>
    %sub3A = arith.subf %div3A_18, %mul3A_19 : vector<1x64xf32>
    %sub3A_20 = vector.broadcast %div3A_12 : vector<1x64xf32> to vector<1024x64xf32>
    %sub3A_21 = arith.subf %add3A_9, %sub3A_20 : vector<1024x64xf32>
    %add3A_22 = arith.constant 9.99999974E-6 : f32
    %add3A_23 = vector.broadcast %add3A_22 : f32 to vector<1x64xf32>
    %add3A_24 = arith.addf %sub3A, %add3A_23 : vector<1x64xf32>
    %sqrt3A = math.sqrt %add3A_24 : vector<1x64xf32>
    %div3A_25 = vector.broadcast %sqrt3A : vector<1x64xf32> to vector<1024x64xf32>
    %div3A_26 = arith.divf %sub3A_21, %div3A_25 : vector<1024x64xf32>
    %logistic3A = arith.negf %div3A_26 : vector<1024x64xf32>
    %logistic3A_27 = math.exp %logistic3A : vector<1024x64xf32>
    %logistic3A_28 = arith.constant 1.000000e+00 : f32
    %logistic3A_29 = vector.broadcast %logistic3A_28 : f32 to vector<1024x64xf32>
    %logistic3A_30 = arith.addf %logistic3A_29, %logistic3A_27 : vector<1024x64xf32>
    %logistic3A_31 = arith.divf %logistic3A_29, %logistic3A_30 : vector<1024x64xf32>
    %get3A_32 = arith.constant 0 : index
    %get3A_33 = arith.constant 0 : index
    %get3A_34 = vector.load %arg3[%get3A_32, %get3A_33] : memref<64x64xf32, #tpu.memory_space<vmem>>, vector<64x64xf32>
    %dot_general3A_35 = arith.constant dense<0.000000e+00> : vector<1024x64xf32>
    %dot_general3A_36 = tpu.matmul %logistic3A_31, %get3A_34, %dot_general3A_35 {dimension_numbers = #tpu.dot_dimension_numbers<[1], [0], [0], [1], [0, 0, 1, 1], [], []>, transpose_lhs_hint = false} : vector<1024x64xf32>, vector<64x64xf32>, vector<1024x64xf32> -> vector<1024x64xf32>
    %get3A_37 = arith.constant 0 : index
    %get3A_38 = arith.constant 0 : index
    %get3A_39 = vector.load %arg4[%get3A_37, %get3A_38] : memref<1x64xf32, #tpu.memory_space<vmem>>, vector<1x64xf32>
    %add3A_40 = vector.broadcast %get3A_39 : vector<1x64xf32> to vector<1024x64xf32>
    %add3A_41 = arith.addf %dot_general3A_36, %add3A_40 : vector<1024x64xf32>
    %reduce_sum3A_42 = arith.constant dense<0.000000e+00> : vector<64xf32>
    %reduce_sum3A_43 = vector.multi_reduction <add>, %add3A_41, %reduce_sum3A_42 [0] : vector<1024x64xf32> to vector<64xf32>
    %broadcast_in_dim3A_44 = vector.shape_cast %reduce_sum3A_43 : vector<64xf32> to vector<1x64xf32>
    %div3A_45 = arith.constant 1.024000e+03 : f32
    %div3A_46 = vector.broadcast %div3A_45 : f32 to vector<1x64xf32>
    %div3A_47 = arith.divf %broadcast_in_dim3A_44, %div3A_46 : vector<1x64xf32>
    %mul3A_48 = arith.mulf %add3A_41, %add3A_41 : vector<1024x64xf32>
    %reduce_sum3A_49 = arith.constant dense<0.000000e+00> : vector<64xf32>
    %reduce_sum3A_50 = vector.multi_reduction <add>, %mul3A_48, %reduce_sum3A_49 [0] : vector<1024x64xf32> to vector<64xf32>
    %broadcast_in_dim3A_51 = vector.shape_cast %reduce_sum3A_50 : vector<64xf32> to vector<1x64xf32>
    %div3A_52 = arith.constant 1.024000e+03 : f32
    %div3A_53 = vector.broadcast %div3A_52 : f32 to vector<1x64xf32>
    %div3A_54 = arith.divf %broadcast_in_dim3A_51, %div3A_53 : vector<1x64xf32>
    %mul3A_55 = arith.mulf %div3A_47, %div3A_47 : vector<1x64xf32>
    %sub3A_56 = arith.subf %div3A_54, %mul3A_55 : vector<1x64xf32>
    %sub3A_57 = vector.broadcast %div3A_47 : vector<1x64xf32> to vector<1024x64xf32>
    %sub3A_58 = arith.subf %add3A_41, %sub3A_57 : vector<1024x64xf32>
    %add3A_59 = arith.constant 9.99999974E-6 : f32
    %add3A_60 = vector.broadcast %add3A_59 : f32 to vector<1x64xf32>
    %add3A_61 = arith.addf %sub3A_56, %add3A_60 : vector<1x64xf32>
    %sqrt3A_62 = math.sqrt %add3A_61 : vector<1x64xf32>
    %div3A_63 = vector.broadcast %sqrt3A_62 : vector<1x64xf32> to vector<1024x64xf32>
    %div3A_64 = arith.divf %sub3A_58, %div3A_63 : vector<1024x64xf32>
    %logistic3A_65 = arith.negf %div3A_64 : vector<1024x64xf32>
    %logistic3A_66 = math.exp %logistic3A_65 : vector<1024x64xf32>
    %logistic3A_67 = arith.constant 1.000000e+00 : f32
    %logistic3A_68 = vector.broadcast %logistic3A_67 : f32 to vector<1024x64xf32>
    %logistic3A_69 = arith.addf %logistic3A_68, %logistic3A_66 : vector<1024x64xf32>
    %logistic3A_70 = arith.divf %logistic3A_68, %logistic3A_69 : vector<1024x64xf32>
    %get3A_71 = arith.constant 0 : index
    %get3A_72 = arith.constant 0 : index
    %get3A_73 = vector.load %arg5[%get3A_71, %get3A_72] : memref<64x128xf32, #tpu.memory_space<vmem>>, vector<64x128xf32>
    %dot_general3A_74 = arith.constant dense<0.000000e+00> : vector<1024x128xf32>
    %dot_general3A_75 = tpu.matmul %logistic3A_70, %get3A_73, %dot_general3A_74 {dimension_numbers = #tpu.dot_dimension_numbers<[1], [0], [0], [1], [0, 0, 1, 1], [], []>, transpose_lhs_hint = false} : vector<1024x64xf32>, vector<64x128xf32>, vector<1024x128xf32> -> vector<1024x128xf32>
    %get3A_76 = arith.constant 0 : index
    %get3A_77 = arith.constant 0 : index
    %get3A_78 = vector.load %arg6[%get3A_76, %get3A_77] : memref<1x128xf32, #tpu.memory_space<vmem>>, vector<1x128xf32>
    %add3A_79 = vector.broadcast %get3A_78 : vector<1x128xf32> to vector<1024x128xf32>
    %add3A_80 = arith.addf %dot_general3A_75, %add3A_79 : vector<1024x128xf32>
    %max3A = arith.constant 0.000000e+00 : f32
    %max3A_81 = vector.broadcast %max3A : f32 to vector<1024x128xf32>
    %max3A_82 = arith.maximumf %add3A_80, %max3A_81 : vector<1024x128xf32>
    %reduce_max3A = arith.constant dense<0xFF800000> : vector<128xf32>
    %reduce_max3A_83 = vector.multi_reduction <maximumf>, %max3A_82, %reduce_max3A [0] : vector<1024x128xf32> to vector<128xf32>
    %broadcast_in_dim3A_84 = vector.shape_cast %reduce_max3A_83 : vector<128xf32> to vector<1x128xf32>
    %reduce_max3A_85 = arith.constant dense<0xFF800000> : vector<1xf32>
    %reduce_max3A_86 = vector.multi_reduction <maximumf>, %broadcast_in_dim3A_84, %reduce_max3A_85 [1] : vector<1x128xf32> to vector<1xf32>
    %broadcast_in_dim3A_87 = vector.shape_cast %reduce_max3A_86 : vector<1xf32> to vector<1x1xf32>
    %sub3A_88 = vector.broadcast %broadcast_in_dim3A_87 : vector<1x1xf32> to vector<1x128xf32>
    %sub3A_89 = arith.subf %broadcast_in_dim3A_84, %sub3A_88 : vector<1x128xf32>
    %exp3A = math.exp %sub3A_89 : vector<1x128xf32>
    %reduce_sum3A_90 = arith.constant dense<0.000000e+00> : vector<1xf32>
    %reduce_sum3A_91 = vector.multi_reduction <add>, %exp3A, %reduce_sum3A_90 [1] : vector<1x128xf32> to vector<1xf32>
    %broadcast_in_dim3A_92 = vector.shape_cast %reduce_sum3A_91 : vector<1xf32> to vector<1x1xf32>
    %div3A_93 = vector.broadcast %broadcast_in_dim3A_92 : vector<1x1xf32> to vector<1x128xf32>
    %div3A_94 = arith.divf %exp3A, %div3A_93 : vector<1x128xf32>
    %swap3A = arith.constant 0 : index
    %swap3A_95 = arith.constant 0 : index
    %swap3A_96 = vector.load %arg7[%swap3A, %swap3A_95] : memref<1x128xf32, #tpu.memory_space<vmem>>, vector<1x128xf32>
    tpu.vector_store %arg7[%swap3A, %swap3A_95], %div3A_94 {strides = array<i32>} : memref<1x128xf32, #tpu.memory_space<vmem>>, vector<1x128xf32>,
    return
  }
}

</mosaic_0001>

<sc_bundles>
// kernel: gather_offload_async_start
scs
__scs_entry_jumppad:
0x0: {  	(pc) =	sbr.rel $0x88, $3  }
0x1: {  	(tag) =	ssettag $0x0;
	lr =	simm.s32 $0x1  }
0x2: {  	[smem:$0x3F8D] =	sst lr;
	_ =	strace $0xD0000000  }
0x3: {  	_ = 	snop  }
0x4: {  	_ = 	snop  }
0x5: {  	_ = 	snop  }
0x6: {  	_ = 	snop  }
0x7: {  	_ = 	snop  }
__scs_overlays_trampoline_lowered:
0x8: {  	[smem:$0x3F9C] =	sst s0  }
0x9: {  	[smem:$0x3F9D] =	sst s1  }
0xa: {  	[smem:$0x3F9E] =	sst s2  }
0xb: {  	[smem:$0x3F9F] =	sst s3  }
0xc: {  	[smem:$0x3FA0] =	sst s4  }
0xd: {  	[smem:$0x3FA1] =	sst s5  }
0xe: {  	[smem:$0x3FA2] =	sst s6  }
0xf: {  	[smem:$0x3FA3] =	sst s7  }
0x10: {  	[smem:$0x3FA4] =	sst s8  }
0x11: {  	[smem:$0x3FA5] =	sst s9;
	s0 =	simm.s32 @!p0 $0x0  }
0x12: {  	s1 =	sld [smem:$0x3F8B];
	s0 =	simm.s32 @p0 $0x1  }
0x13: {  	[smem:$0x3FA6] =	sst s0;
	s0 =	simm.s32 @!p1 $0x0  }
0x14: {  	s2 =	sld [smem:$0x3F8A];
	s0 =	simm.s32 @p1 $0x1  }
0x15: {  	[smem:$0x3FA7] =	sst s0;
	s0 =	simm.s32 @!p2 $0x0  }
0x16: {  	s3 =	sld [smem:$0x3FDB];
	s0 =	simm.s32 @p2 $0x1  }
0x17: {  	s4 =	simm.s32 $0x1BF5;
	[smem:$0x3FA9] =	sst s0  }
0x18: {  	s0 =	sld [smem:$0x3F8C];
	_ =	swait.ge [sflag:s4], $0x0  }
0x19: {  	s7 =	sld [smem:$0x3F8D]  }
0x1a: {  	s8 =	sadd.s32 $0xFFFFE003, lr  }
0x1b: {  	s9 =	sadd.s32 $0xFFFFFEF7, lr;
	s5 =	simm.s32 $0xFFFFFFFF;
	p2 =	slt.u32 s8, $0xFFFFF086  }
0x1c: {  	p1 =	slt.u32 s9, $0xF7A;
	s5 =	simm.s32 @!p2 $0x0  }
0x1d: {  	s5 =	simm.s32 @p1 $0x1;
	p0 =	seq.s32 s7, s2  }
0x1e: {  	s7 =	smul.u32 @!p0 $0xF7A, s2;
	p2 =	seq.s32 @!p0 s5, $0x0  }
0x1f: {  	s9 =	smul.u32 $0xF7A, s1;
	s8 =	simm.s32 @!p0 $0x1BF5;
	p2 =	por !p2, p0  }
0x20: {  	[sflag:s8] =	ssyncset.s32 @!p0 $0xFFFFF086;
	s6 =	sadd.s32 @!p0 s3, s7;
	s7 =	simm.s32 @!p0 $0x108  }
0x21: {  	s3 =	sadd.s32 s3, s9;
	s6 =	sadd.s32 @!p0 $0x88, s6;
	s7 =	simm.s32 @p2 $0x1082  }
0x22: {  	[simem:s7], [sflag:s8] =	dma.local @!p0 [hbm:s6], $0xF7A  }
0x23: {  	s9 =	sor.u32 $0xD0000000, s2;
	s6 =	simm.s32 $0x108;
	_ =	swait.ge @!p0 [sflag:s8], $0x0  }
0x24: {  	s3 =	sadd.s32 $0x88, s3;
	s6 =	simm.s32 @!p1 $0x1082;
	[sflag:s4] =	ssyncset.s32 $0xFFFFF086  }
0x25: {  	[simem:s6], [sflag:s4] =	dma.local [hbm:s3], $0xF7A  }
0x26: {  	[smem:$0x3F8D] =	sst s1;
	(tag) =	ssettag s2;
	_ =	strace s9  }
0x27: {  	s1 =	sld [smem:$0x3F9D]  }
0x28: {  	s2 =	sld [smem:$0x3F9E]  }
0x29: {  	s4 =	sld [smem:$0x3FA0]  }
0x2a: {  	p0 =	seq.s32 s5, $0x0;
	s5 =	sld [smem:$0x3FA1]  }
0x2b: {  	s6 =	sld [smem:$0x3FA2]  }
0x2c: {  	s7 =	sld [smem:$0x3FA3]  }
0x2d: {  	s3 =	simm.s32 $0x108;
	s8 =	sld [smem:$0x3FA4]  }
0x2e: {  	s3 =	simm.s32 @!p0 $0x1082;
	s9 =	sld [smem:$0x3FA5]  }
0x2f: {  	lr =	sadd.s32 s0, s3;
	s0 =	sld [smem:$0x3F9C]  }
0x30: {  	s3 =	sld [smem:$0x3F9F]  }
0x31: {  	[smem:$0x3FA8] =	sst s10  }
0x32: {  	s10 =	sld [smem:$0x3FA6];
	_ =	sdelay $0x3  }
0x33: {  	p0 =	seq.s32 s10, $0x1;
	s10 =	sld [smem:$0x3FA8];
	_ =	sdelay $0x3  }
0x34: {  	[smem:$0x3FA8] =	sst s10  }
0x35: {  	s10 =	sld [smem:$0x3FA7];
	_ =	sdelay $0x3  }
0x36: {  	p1 =	seq.s32 s10, $0x1;
	s10 =	sld [smem:$0x3FA8];
	_ =	sdelay $0x3  }
0x37: {  	[smem:$0x3FA8] =	sst s10  }
0x38: {  	s10 =	sld [smem:$0x3FA9]  }
0x39: {  	_ = 	snop;
	(pc) =	sbr.ind lr, $3  }
0x3a: {  	_ = 	snop  }
0x3b: {  	_ = 	snop  }
0x3c: {  	p2 =	seq.s32 s10, $0x1;
	s10 =	sld [smem:$0x3FA8]  }
0x3d: {  	_ =	shalt  }
0x3e: {  	_ =	shalt  }
0x3f: {  	_ =	shalt  }
0x40: {  	_ =	shalt  }
0x41: {  	_ =	shalt  }
0x42: {  	_ =	shalt  }
0x43: {  	_ =	shalt  }
0x44: {  	_ =	shalt  }
0x45: {  	_ =	shalt  }
0x46: {  	_ =	shalt  }
0x47: {  	_ =	shalt  }
0x48: {  	_ =	shalt  }
0x49: {  	_ =	shalt  }
0x4a: {  	_ =	shalt  }
0x4b: {  	_ =	shalt  }
0x4c: {  	_ =	shalt  }
0x4d: {  	_ =	shalt  }
0x4e: {  	_ =	shalt  }
0x4f: {  	_ =	shalt  }
0x50: {  	_ =	shalt  }
0x51: {  	_ =	shalt  }
0x52: {  	_ =	shalt  }
0x53: {  	_ =	shalt  }
0x54: {  	_ =	shalt  }
0x55: {  	_ =	shalt  }
0x56: {  	_ =	shalt  }
0x57: {  	_ =	shalt  }
0x58: {  	_ =	shalt  }
0x59: {  	_ =	shalt  }
0x5a: {  	_ =	shalt  }
0x5b: {  	_ =	shalt  }
0x5c: {  	_ =	shalt  }
0x5d: {  	_ =	shalt  }
0x5e: {  	_ =	shalt  }
0x5f: {  	_ =	shalt  }
0x60: {  	_ =	shalt  }
0x61: {  	_ =	shalt  }
0x62: {  	_ =	shalt  }
0x63: {  	_ =	shalt  }
0x64: {  	_ =	shalt  }
0x65: {  	_ =	shalt  }
0x66: {  	_ =	shalt  }
0x67: {  	_ =	shalt  }
0x68: {  	_ =	shalt  }
0x69: {  	_ =	shalt  }
0x6a: {  	_ =	shalt  }
0x6b: {  	_ =	shalt  }
0x6c: {  	_ =	shalt  }
0x6d: {  	_ =	shalt  }
0x6e: {  	_ =	shalt  }
0x6f: {  	_ =	shalt  }
0x70: {  	_ =	shalt  }
0x71: {  	_ =	shalt  }
0x72: {  	_ =	shalt  }
0x73: {  	_ =	shalt  }
0x74: {  	_ =	shalt  }
0x75: {  	_ =	shalt  }
0x76: {  	_ =	shalt  }
0x77: {  	_ =	shalt  }
0x78: {  	_ =	shalt  }
0x79: {  	_ =	shalt  }
0x7a: {  	_ =	shalt  }
0x7b: {  	_ =	shalt  }
0x7c: {  	_ =	shalt  }
0x7d: {  	_ =	shalt  }
0x7e: {  	_ =	shalt  }
0x7f: {  	_ =	shalt  }
0x80: {  	_ =	shalt  }
0x81: {  	_ =	shalt  }
0x82: {  	_ =	shalt  }
0x83: {  	_ =	shalt  }
0x84: {  	_ =	shalt  }
0x85: {  	_ =	shalt  }
0x86: {  	_ =	shalt  }
0x87: {  	_ =	shalt  }
.Lfunc_end0:
.L_simem_size_0:
called_computation_lowered:
.L_overlay_start_0:
0x88: {  	s2 =	sld [smem:$0x3FD9]  }
0x89: {  	s3 =	sld [smem:$0x3FFE];
	_ =	sdelay $0x1  }
0x8a: {  	s1 =	srdreg.scid  }
0x8b: {  	s0 =	sand.u32 $0x1, s1  }
0x8c: {  	s16 =	sshll.u32 s0, $0xA;
	s2 =	sadd.s32 s3, s2  }
0x8d: {  	s2 =	sadd.s32 s2, s16  }
0x8e: {  	[smem:$0x3FB4] =	sst s2  }
0x8f: {  	_ = 	snop  }
0x90: {  	(tm) =	ssettm $0x1  }
0x91: {  	s17 =	sld [smem:$0x3FFB];
	_ =	sdelay $0x3  }
0x92: {  	_ =	strace s17  }
0x93: {  	s2 =	sld [smem:$0x3FFC];
	_ =	sdelay $0x3  }
0x94: {  	_ =	strace s2  }
0x95: {  	s2 =	sld [smem:$0x3FFD];
	_ =	sdelay $0x3  }
0x96: {  	_ =	strace s2  }
0x97: {  	_ =	strace $0x8FFFFFFF  }
0x98: {  	s18 =	sld [smem:$0x3FDB];
	_ =	sdelay $0x1  }
0x99: {  	s19 =	simm.s32 $_scs_section_size  }
0x9a: {  	s4 =	simm.s32 $_size__tile_overlayer_lowered;
	s5 =	simm.s32 $_tile_overlayer_lowered  }
0x9b: {  	s22 =	simm.s32 $0x1BFF;
	s21 =	sshll.u32 s5, $0x1;
	s2 =	sadd.s32 s19, s18  }
0x9c: {  	s6 =	simm.s32 $0x0;
	s20 =	sshll.u32 s4, $0x1;
	s4 =	sadd.s32 s21, s2  }
0x9d: {  	[timem:s6], [sflag:s22] =	dma.local [hbm:s4], s20  }
0x9e: {  	_ =	swait.ge [sflag:s22], s20  }
0x9f: {  	s3 =	ssub.s32 $0x0, s20;
	[sflag:s22] =	ssyncset.done $0x0  }
0xa0: {  	[sflag:s22] =	ssyncadd.s32 s3;
	_ =	sdelay $0x1  }
0xa1: {  	s23 =	simm.s32 $0x1B8B  }
0xa2: {  	_ =	swait.ge [sflag:s23], $0x1  }
0xa3: {  	[sflag:s23] =	ssyncset.done $0x0  }
0xa4: {  	s25 =	simm.s32 $0x1B8E;
	s24 =	sld [smem:$0x3FFE];
	[sflag:s23] =	ssyncadd.s32 $0xFFFFFFFF  }
0xa5: {  	s26 =	simm.s32 $execute0_lowered;
	[smem:$0x3FD2] =	sst s25  }
0xa6: {  	s4 =	sshll.u32 s26, $0x1;
	_ =	strace $0x80000046;
	[dreg:$0x1] =	wrdreg $0xFFFFFFFF  }
0xa7: {  	s28 =	simm.s32 $_size_execute0_lowered;
	s2 =	sadd.s32 s2, s4;
	[dreg:$0x0] =	wrdreg $0x0  }
0xa8: {  	s4 =	sshll.u32 s28, $0x1;
	[dreg:$0x2] =	wrdreg s2  }
0xa9: {  	[dreg:$0x3] =	wrdreg s4  }
0xaa: {  	[dreg:$0x4] =	wrdreg $0xC0  }
0xab: {  	_ =	task [dreg:s6], $0x5FFFF  }
0xac: {  	[dreg:$0x1] =	wrdreg $0xFFFFFFFF  }
0xad: {  	[dreg:$0x0] =	wrdreg $0x60  }
0xae: {  	[dreg:$0x2] =	wrdreg s24  }
0xaf: {  	[dreg:$0x3] =	wrdreg $0x9  }
0xb0: {  	_ =	task.clear_ibuf [dreg:s6], $0x4FFFF;
	_ =	strace $0x90000046  }
0xb1: {  	s29 =	simm.s32 $0x9;
	_ =	strace $0x80000048  }
0xb2: {  	_ =	swait.ge [sflag:s29], $0x1  }
0xb3: {  	[sflag:s29] =	ssyncadd.s32 $0xFFFFFFFF  }
0xb4: {  	_ =	strace $0x90000048  }
0xb5: {  	_ =	sfence  }
0xb6: {  	s30 =	sld [smem:$0x0];
	_ =	sdelay $0x2  }
0xb7: {  	s31 =	sshll.u32 s1, $0xD;
	s1 =	sshrl.u32 s1, $0x2  }
0xb8: {  	s3 =	sand.u32 $0x4000, s31;
	s1 =	sadd.s32 s1, s30  }
0xb9: {  	s0 =	sor.u32 s3, s0;
	s1 =	sshll.u32 s1, $0x11  }
0xba: {  	s0 =	sor.u32 s1, s0  }
0xbb: {  	s0 =	sadd.s32 $0x8F2B, s0  }
0xbc: {  	[sflag:s0] =	ssyncadd.remote.s32 $0x1  }
0xbd: {  	_ =	sfence.sel $0xFFFF  }
0xbe: {  	[dreg:$0x0] =	wrdreg $0xFFFFFFFF;
	(pc) =	sbr.abs _section_cstart, $3  }
0xbf: {  	[dreg:$0x1] =	wrdreg $0xFFFFFFFF  }
0xc0: {  	_ =	task.clear_ibuf [dreg:s6], $0x2FFFF;
	_ =	strace $0x9FFFFFFF  }
0xc1: {  	(tm) =	ssettm $0x7FFFFFFF  }
tec
execute0_lowered:
.L_overlay_start_1:
0x0: {  	(tag) =	ssettag $0x1  }
0x1: {  	s2 =	rddreg [dreg:$0x0]  }
0x2: {  	s0 =	rddreg [dreg:$0x1]  }
0x3: {  	s1 =	srdreg.scid;
	_ =	strace $0x80000047;
	s4 =	simm.s32 $0x1  }
0x4: {  	s9 =	simm.s32 $0x3;
	s12 =	simm.s32 $0x0;
	s5 =	sshll.u32 s1, $0x4  }
.Ltmp0:
0x5: {  	s1 =	stileid.u32;
	s5 =	sand.u32 $0x10, s5;
	(pc) =	sbr.rel .LBB2_1-.Ltmp0, $4  }
0x6: {  	s10 =	simm.s32 $0x0;
	s3 =	sadd.s32 $0x40000, s2;
	s6 =	sor.u32 s1, s5  }
0x7: {  	[sflag:s4] =	ssyncpa.u1 $0x0;
	s5 =	simm.s32 $0x2;
	s6 =	sshll.u32 s6, $0x7  }
0x8: {  	s7 =	sadd.s32 $0x40200, s2;
	[sflag:s5] =	ssyncpa.u1 $0x0;
	s8 =	sadd.s32 $0x80, s6  }
0x9: {  	vm0 =	vmmov $0xff;
	vm1 =	vcmask $0x3F20;
	[sflag:s9] =	ssyncpa.u1 $0x0;
	s9 =	simm.s32 $0x80;
	s11 =	smov.u32 s6  }
.LBB2_9:
0xa: {  	p0 =	seq.s32 s10, $0x2  }
.Ltmp1:
0xb: {  	_ = 	snop;
	(pc) =	sbr.rel @p0 .LBB2_11-.Ltmp1, $1  }
0xc: {  	_ =	sdelay $0x3  }
.LBB2_10:
0xd: {  	s12 =	sadd.s32 $0x80, s11  }
0xe: {  	s13 =	smov.u32 s6;
	p0 =	slt.s32 s12, s8  }
0xf: {  	s13 =	smov.u32 @p0 s12  }
0x10: {  	s10 =	sadd.s32 $0x1, s10;
	s12 =	smov.u32 s11;
	s11 =	smov.u32 s13  }
.LBB2_1:
0x11: {  	p0 =	sne.s32 s10, $0x0  }
.Ltmp2:
0x12: {  	_ = 	snop;
	(pc) =	sbr.rel @!p0 .LBB2_2-.Ltmp2, $1  }
0x13: {  	_ =	sdelay $0x3  }
0x14: {  	s13 =	sand.u32 $0x1, s10  }
0x15: {  	p0 =	seq.s32 s13, $0x0  }
.Ltmp3:
0x16: {  	_ = 	snop;
	(pc) =	sbr.rel @p0 .LBB2_9-.Ltmp3, $1  }
0x17: {  	_ =	sdelay $0x3  }
0x18: {  	_ =	swait.ge [sflag:s5], $0x80  }
0x19: {  	[sflag:s5] =	ssyncset.done $0x0  }
0x1a: {  	s13 =	simm.s32 $0x0;
	[sflag:s5] =	ssyncadd.s32 $0xFFFFFF80  }
0x1b: {  	v0 =	vld.msk [tilespmem:s13+$0x80 ss:$0x1], $0xffff;
	_ =	sdelay $0x4  }
0x1c: {  	vm2 =	vgt.s32 v0, $0x0  }
0x1d: {  	v0 =	vnsel vm2, $0x0, v0  }
0x1e: {  	v0 =	vmin.u32 v0, $0x3FFF  }
0x1f: {  	v0 =	vshll.u32 v0, $0x4;
	_ =	sdelay $0x3  }
0x20: {  	s13 =	simm.s32 $0x4100  }
0x21: {  	[tilespmem:s13], [sflag:$0x1] =	stream.indirect_vreg.gather [hbm:s2], $0x80, v0, vm0, $0x38;
	[tilespmem:$0x8100] =	vst v63  }
0x22: {  	s14 =	simm.s32 $0x4500;
	s31 =	simm.s32 $0x10  }
0x23: {  	[tilespmem:s14], [sflag:$0x1] =	stream.indirect_vreg.gather [hbm:s2], $0x80, v0, vm1, $0x38;
	[tilespmem:$0x8100] =	vst v63  }
0x24: {  	s14 =	simm.s32 $0x80;
	v0 =	vld.msk [tilespmem:s31+$0x80 ss:$0x1], $0xffff  }
.LBB2_5:
0x25: {  	p0 =	sne.s32 s14, $0x1C0;
	_ =	sdelay $0x4  }
0x26: {  	vm2 =	vgt.s32 v0, $0x0  }
0x27: {  	v0 =	vnsel vm2, $0x0, v0  }
0x28: {  	v0 =	vmin.u32 v0, $0x3FFF  }
0x29: {  	v0 =	vshll.u32 v0, $0x4;
	_ =	sdelay $0x3  }
.Ltmp4:
0x2a: {  	s13 =	sadd.s32 $0x800, s13;
	(pc) =	sbr.rel @p0 .LBB2_5-.Ltmp4, $4  }
0x2b: {  	[tilespmem:s13], [sflag:$0x1] =	stream.indirect_vreg.gather [hbm:s2], $0x80, v0, vm0, $0x38;
	[tilespmem:$0x8100] =	vst v63  }
0x2c: {  	s15 =	sshra.s32 s14, $0x2;
	s16 =	sadd.s32 $0x400, s13  }
0x2d: {  	[tilespmem:s16], [sflag:$0x1] =	stream.indirect_vreg.gather [hbm:s2], $0x80, v0, vm1, $0x38;
	[tilespmem:$0x8100] =	vst v63  }
0x2e: {  	s14 =	sadd.s32 $0x40, s14;
	v0 =	vld.msk [tilespmem:s15+$0x80 ss:$0x1], $0xffff  }
0x2f: {  	_ =	sdelay $0x3  }
0x30: {  	vm2 =	vgt.s32 v0, $0x0  }
0x31: {  	v0 =	vnsel vm2, $0x0, v0  }
0x32: {  	v0 =	vmin.u32 v0, $0x3FFF  }
0x33: {  	v0 =	vshll.u32 v0, $0x4;
	_ =	sdelay $0x3  }
0x34: {  	s13 =	sadd.s32 $0x800, s13  }
0x35: {  	[tilespmem:s13], [sflag:$0x1] =	stream.indirect_vreg.gather [hbm:s2], $0x80, v0, vm0, $0x38;
	[tilespmem:$0x8100] =	vst v63  }
0x36: {  	s13 =	sadd.s32 $0x400, s13  }
0x37: {  	[tilespmem:s13], [sflag:$0x1] =	stream.indirect_vreg.gather [hbm:s2], $0x80, v0, vm1, $0x38;
	[tilespmem:$0x8100] =	vst v63  }
0x38: {  	s12 =	sshll.u32 s12, $0x4;
	s14 =	simm.s32 $0x80;
	_ =	swait.ge [sflag:s4], $0x4000  }
0x39: {  	s15 =	simm.s32 $0x4500;
	s12 =	sadd.s32 s12, s7;
	[sflag:s4] =	ssyncset.done $0x0  }
0x3a: {  	s16 =	sadd.s32 $0x0, s12;
	s13 =	simm.s32 $0x4100;
	[sflag:s4] =	ssyncadd.s32 $0xFFFFC000  }
.LBB2_7:
0x3b: {  	[hbm:s16] =	stream.linear.scatter [tilespmem:s13], [sflag:$0x3], $0x400, $0x38;
	[tilespmem:$0x8100] =	vst v63  }
0x3c: {  	s16 =	smov.u32 s14;
	s13 =	smov.u32 s15;
	p0 =	sne.s32 s14, $0x780  }
.Ltmp5:
0x3d: {  	s14 =	sadd.s32 $0x80, s14;
	(pc) =	sbr.rel @p0 .LBB2_7-.Ltmp5, $2  }
0x3e: {  	_ =	sdelay $0x2  }
0x3f: {  	s15 =	sadd.s32 $0x400, s15;
	s16 =	sadd.s32 s16, s12  }
.Ltmp6:
0x40: {  	(pc) =	sbr.rel .LBB2_9-.Ltmp6, $2  }
0x41: {  	_ =	sdelay $0x2  }
0x42: {  	[hbm:s16] =	stream.linear.scatter [tilespmem:s13], [sflag:$0x3], $0x400, $0x38;
	[tilespmem:$0x8100] =	vst v63  }
.LBB2_2:
.Ltmp7:
0x43: {  	(pc) =	sbr.rel .LBB2_10-.Ltmp7, $4  }
0x44: {  	_ = 	snop  }
0x45: {  	s12 =	sshrl.u32 s11, $0x3  }
0x46: {  	s13 =	sand.u32 $0x7, s11;
	s12 =	sadd.s32 s3, s12  }
0x47: {  	[tilespmem:s9], [sflag:$0x2] =	stream.linear.gather [hbm4b:s12+s13], $0x80, $0x38;
	[tilespmem:$0x8100] =	vst v63  }
.LBB2_11:
0x48: {  	s2 =	simm.s32 $0x3  }
0x49: {  	_ =	swait.ge [sflag:s2], $0x4000  }
0x4a: {  	[sflag:s2] =	ssyncset.done $0x0  }
0x4b: {  	[sflag:s2] =	ssyncadd.s32 $0xFFFFC000  }
0x4c: {  	_ =	sfence.sel $0x180000  }
0x4d: {  	s3 =	simm.s32 $0x2;
	[bflag:$0x0] =	sbarrier.arrive $0xFFFF  }
0x4e: {  	[sflag:s3] =	ssyncpa.u1 $0x1  }
0x4f: {  	s31 =	simm.s32 $0x1;
	[sflag:s2] =	ssyncpa.u1 $0x1  }
0x50: {  	[sflag:s31] =	ssyncpa.u1 $0x1  }
0x51: {  	p0 =	sne.s32 s1, $0x0;
	_ =	strace $0x90000047  }
0x52: {  	s0 =	sadd.s32 @!p0 $0x100000, s0;
	[bflag:$0x2] =	sbarrier.arrive $0xFFFF  }
0x53: {  	[sflag:s0] =	ssyncadd.tile.s32 @!p0 $0x1;
	_ =	shalt  }
.Lfunc_end2:
_tile_overlayer_lowered:
.L_overlay_start_2:
0x54: {  	(tag) =	ssettag $0x2  }
0x55: {  	s0 =	rddreg [dreg:$0x0];
	s2 =	stileid.u32  }
0x56: {  	s1 =	rddreg [dreg:$0x1];
	p0 =	sne.s32 s2, $0x0  }
0x57: {  	s3 =	rddreg [dreg:$0x2];
	[bflag:$0x3] =	sbarrier.arrive $0xFFFF;
	s2 =	simm.s32 @!p0 $0x1C01  }
0x58: {  	[timem:s3], [sflag:s2] =	dma.local @!p0 [hbm:s0], s1  }
0x59: {  	s0 =	simm.s32 @!p0 $0x1  }
0x5a: {  	_ =	swait.ge @!p0 [sflag:s0], s1  }
0x5b: {  	s1 =	ssub.s32 @!p0 $0x0, s1;
	[sflag:s0] =	ssyncset.done @!p0 $0x0  }
0x5c: {  	[sflag:s0] =	ssyncadd.s32 @!p0 s1  }
0x5d: {  	[bflag:$0x3] =	sbarrier.arrive $0xFFFF  }
0x5e: {  	_ =	shalt  }

</sc_bundles>
